<compile_context>
chip_gen: v7x
topology: tpu7x:2x2x1
jax: 0.10.2.dev20260603
libtpu: 0.0.44.dev20260713+nightly
codegen_flags: <defaults>
</compile_context>

<pallas_src>
import functools

import jax
import jax.numpy as jnp
from jax import lax
from jax.experimental import pallas as pl
from jax.experimental.pallas import tpu as pltpu
from jax.experimental.pallas import tpu_sc as plsc

VROW = 100001
D = 32
B = 16384

_info = plsc.get_sparse_core_info()
_NC, _NS = _info.num_cores, _info.num_subcores
_NW = _NC * _NS
assert _NW == D

_CHUNK = 4096

_mesh = plsc.VectorSubcoreMesh(core_axis_name="c", subcore_axis_name="s")


@functools.partial(
    pl.kernel,
    mesh=_mesh,
    out_type=jax.ShapeDtypeStruct((4, 8, B), jnp.float32),
    scratch_types=[
        pltpu.VMEM((VROW,), jnp.float32),
        pltpu.VMEM((B,), jnp.int32),
        pltpu.VMEM((_CHUNK,), jnp.float32),
        pltpu.VMEM((_CHUNK,), jnp.float32),
        pltpu.SemaphoreType.DMA,
        pltpu.SemaphoreType.DMA,
        pltpu.SemaphoreType.DMA,
        pltpu.SemaphoreType.DMA,
    ],
    compiler_params=pltpu.CompilerParams(use_tc_tiling_on_sc=True,
                                         needs_layout_passes=False),
)
def _sc_gather_t(t3_hbm, idx_hbm, out_hbm, row_v, idx_v, val0, val1,
                 sem_row, sem_idx, sem_o0, sem_o1):
    wid = lax.axis_index("s") * _NC + lax.axis_index("c")
    q = wid // 8
    s = wid % 8
    vals = (val0, val1)
    osems = (sem_o0, sem_o1)
    h_row = pltpu.async_copy(t3_hbm.at[q, s], row_v, sem_row)
    h_idx = pltpu.async_copy(idx_hbm, idx_v, sem_idx)
    h_idx.wait()
    h_row.wait()
    outs = [None, None]
    for c in range(B // _CHUNK):
        buf = vals[c % 2]
        if outs[c % 2] is not None:
            outs[c % 2].wait()

        @plsc.parallel_loop(0, _CHUNK, step=16, unroll=8)
        def body(i):
            pos = idx_v[pl.ds(c * _CHUNK + i, 16)]
            buf[pl.ds(i, 16)] = plsc.load_gather(row_v, [pos])

        outs[c % 2] = pltpu.async_copy(
            buf, out_hbm.at[q, s, pl.ds(c * _CHUNK, _CHUNK)], osems[c % 2])
    outs[0].wait()
    outs[1].wait()


_NB = 8192

_CONTRACT00 = (((0,), (0,)), ((), ()))


def _mlp_t_body(featT_ref, w1_ref, b1_ref, w2_ref, b2_ref, w3_ref, b3_ref,
                out_ref):
    h = lax.dot_general(w1_ref[...], featT_ref[...], _CONTRACT00,
                        preferred_element_type=jnp.float32) + b1_ref[...]
    h = jnp.maximum(h, 0.0)
    h = lax.dot_general(w2_ref[...], h, _CONTRACT00,
                        preferred_element_type=jnp.float32) + b2_ref[...]
    h = jnp.maximum(h, 0.0)
    out_ref[...] = lax.dot_general(w3_ref[...], h, _CONTRACT00,
                                   preferred_element_type=jnp.float32) + b3_ref[...]


def _mlp_t(featT, W1, b1, W2, b2, W3, b3):
    full = lambda shape: pl.BlockSpec(shape, lambda i: (0,) * len(shape))
    return pl.pallas_call(
        _mlp_t_body,
        grid=(B // _NB,),
        in_specs=[
            pl.BlockSpec((D, _NB), lambda i: (0, i)),
            full((D, 256)),
            full((256, 1)),
            full((256, 128)),
            full((128, 1)),
            full((128, 64)),
            full((64, 1)),
        ],
        out_specs=pl.BlockSpec((64, _NB), lambda i: (0, i)),
        out_shape=jax.ShapeDtypeStruct((64, B), jnp.float32),
        compiler_params=pltpu.CompilerParams(
            dimension_semantics=("parallel",)),
    )(featT, W1, b1, W2, b2, W3, b3)


def kernel(AuthorId, table, W1, b1, W2, b2, W3, b3):
    idx = AuthorId.astype(jnp.int32)
    t3 = table.T.reshape(4, 8, VROW)
    featT = _sc_gather_t(t3, idx).reshape(D, B)
    outT = _mlp_t(featT, W1, b1.reshape(-1, 1), W2, b2.reshape(-1, 1),
                  W3, b3.reshape(-1, 1))
    return outT.T

# --- scband reference (transcript-rebuilt; emitter-appended) ---
"""Pipeline reference for scband-query-model-22093311771264 (READ-ONLY COPY).

The authoritative reference and input builder live on the scoring server;
editing this copy changes nothing except your own understanding.
"""

import jax, jax.numpy as jnp
import numpy as np

VOCAB = 100000
EMBED_DIM = 32
BATCH = 16384
LAYER_SIZES = [256, 128, 64]

def setup_inputs(seed: int = 0) -> dict:
    key = jax.random.key(seed)
    ks = jax.random.split(key, 10)
    # StringLookup(mask_token=None) maps vocab to indices 1..V, OOV to 0; embedding table has V+1 rows.
    # We model the post-lookup integer indices directly.
    idx = jax.random.randint(ks[0], (BATCH,), 0, VOCAB, dtype=jnp.int64 if jax.config.jax_enable_x64 else jnp.int32)
    table = jax.random.normal(ks[1], (VOCAB + 1, EMBED_DIM), dtype=jnp.float32) * 0.05
    # Dense tower params: 32 -> 256 (relu) -> 128 (relu) -> 64 (linear)
    dims = [EMBED_DIM] + LAYER_SIZES
    W1 = jax.random.normal(ks[2], (dims[0], dims[1]), dtype=jnp.float32) * (1.0 / np.sqrt(dims[0]))
    b1 = jnp.zeros((dims[1],), dtype=jnp.float32)
    W2 = jax.random.normal(ks[3], (dims[1], dims[2]), dtype=jnp.float32) * (1.0 / np.sqrt(dims[1]))
    b2 = jnp.zeros((dims[2],), dtype=jnp.float32)
    W3 = jax.random.normal(ks[4], (dims[2], dims[3]), dtype=jnp.float32) * (1.0 / np.sqrt(dims[2]))
    b3 = jnp.zeros((dims[3],), dtype=jnp.float32)
    return {"AuthorId": idx, "table": table, "W1": W1, "b1": b1, "W2": W2, "b2": b2, "W3": W3, "b3": b3}

def reference(AuthorId, table, W1, b1, W2, b2, W3, b3):
    # UserModel: embedding lookup (StringLookup already folded into integer indices)
    feat = jnp.take(table, AuthorId, axis=0)  # [B, 32]
    # tf.concat([emb], axis=1) is identity for a single feature
    # QueryModel dense tower: relu for all but last layer
    h = jax.nn.relu(feat @ W1 + b1)
    h = jax.nn.relu(h @ W2 + b2)
    out = h @ W3 + b3
    return out

if __name__ == "__main__":
    import jax
    _d = setup_inputs()
    print(jax.jit(kernel)(*tuple(_d.values())))

</pallas_src>

<mosaic_0001>
#map = affine_map<(d0, d1) -> (0, 0, 0)>
#map1 = affine_map<(d0, d1) -> (0)>
module attributes {stable_mosaic.version = 14 : i64} {
  func.func @_sc_gather_t(%arg0: i32, %arg1: i32, %arg2: memref<4x8x100001xf32, #tpu.memory_space<hbm>>, %arg3: memref<16384xi32, #tpu.memory_space<hbm>>, %arg4: memref<4x8x16384xf32, #tpu.memory_space<hbm>>, %arg5: memref<100001xf32, #tpu.memory_space<vmem>>, %arg6: memref<16384xi32, #tpu.memory_space<vmem>>, %arg7: memref<4096xf32, #tpu.memory_space<vmem>>, %arg8: memref<4096xf32, #tpu.memory_space<vmem>>, %arg9: memref<!tpu.dma_semaphore, #tpu.memory_space<semaphore_mem>>, %arg10: memref<!tpu.dma_semaphore, #tpu.memory_space<semaphore_mem>>, %arg11: memref<!tpu.dma_semaphore, #tpu.memory_space<semaphore_mem>>, %arg12: memref<!tpu.dma_semaphore, #tpu.memory_space<semaphore_mem>>) attributes {dimension_semantics = [#tpu.dimension_semantics<core_parallel>, #tpu.dimension_semantics<subcore_parallel>], iteration_bounds = array<i64: 2, 16>, scalar_prefetch = 0 : i64, scratch_operands = 8 : i64, tpu.core_type = #tpu.core_type<sc_vector_subcore>, window_params = [{transform_indices = #map}, {transform_indices = #map1}, {transform_indices = #map}]} {
    %mul3A = arith.constant 2 : i32
    %mul3A_0 = arith.muli %arg1, %mul3A : i32
    %add3A = arith.addi %mul3A_0, %arg0 : i32
    %jit3A = arith.constant 8 : i32
    %div3A = arith.divsi %add3A, %jit3A : i32
    %sign3A = arith.constant 0 : i32
    %sign3A_1 = arith.cmpi sgt, %add3A, %sign3A : i32
    %sign3A_2 = arith.extui %sign3A_1 : i1 to i32
    %sign3A_3 = arith.constant 0 : i32
    %sign3A_4 = arith.cmpi slt, %add3A, %sign3A_3 : i32
    %sign3A_5 = arith.extui %sign3A_4 : i1 to i32
    %sign3A_6 = arith.subi %sign3A_2, %sign3A_5 : i32
    %sign3A_7 = arith.constant 0 : i32
    %sign3A_8 = arith.cmpi sgt, %jit3A, %sign3A_7 : i32
    %sign3A_9 = arith.extui %sign3A_8 : i1 to i32
    %sign3A_10 = arith.constant 0 : i32
    %sign3A_11 = arith.cmpi slt, %jit3A, %sign3A_10 : i32
    %sign3A_12 = arith.extui %sign3A_11 : i1 to i32
    %sign3A_13 = arith.subi %sign3A_9, %sign3A_12 : i32
    %ne3A = arith.cmpi ne, %sign3A_6, %sign3A_13 : i32
    %rem3A = arith.remsi %add3A, %jit3A : i32
    %ne3A_14 = arith.constant 0 : i32
    %ne3A_15 = arith.cmpi ne, %rem3A, %ne3A_14 : i32
    %and3A = arith.andi %ne3A, %ne3A_15 : i1
    %sub3A = arith.constant 1 : i32
    %sub3A_16 = arith.subi %div3A, %sub3A : i32
    %select_n3A = arith.select %and3A, %sub3A_16, %div3A : i32
    %jit3A_17 = arith.constant 8 : i32
    %eq3A = arith.constant 0 : i32
    %eq3A_18 = arith.cmpi eq, %jit3A_17, %eq3A : i32
    %jit3A_19 = arith.constant 1 : i32
    %select_n3A_20 = arith.select %eq3A_18, %jit3A_19, %jit3A_17 : i32
    %rem3A_21 = arith.remsi %add3A, %select_n3A_20 : i32
    %ne3A_22 = arith.constant 0 : i32
    %ne3A_23 = arith.cmpi ne, %rem3A_21, %ne3A_22 : i32
    %lt3A = arith.constant 0 : i32
    %lt3A_24 = arith.cmpi slt, %rem3A_21, %lt3A : i32
    %lt3A_25 = arith.constant 0 : i32
    %lt3A_26 = arith.cmpi slt, %select_n3A_20, %lt3A_25 : i32
    %ne3A_27 = arith.xori %lt3A_24, %lt3A_26 : i1
    %and3A_28 = arith.andi %ne3A_27, %ne3A_23 : i1
    %add3A_29 = arith.addi %rem3A_21, %select_n3A_20 : i32
    %select_n3A_30 = arith.select %and3A_28, %add3A_29, %rem3A_21 : i32
    %dma_start3A = arith.constant 0 : i32
    %dma_start3A_31 = tpu.memref_slice %arg2[%select_n3A, %select_n3A_30, %dma_start3A] : memref<4x8x100001xf32, #tpu.memory_space<hbm>> -> memref<1x1x100001xf32, #tpu.memory_space<hbm>>
    %dma_start3A_32 = tpu.memref_squeeze %dma_start3A_31 : memref<1x1x100001xf32, #tpu.memory_space<hbm>> -> memref<100001xf32, #tpu.memory_space<hbm>>
    %dma_start3A_33 = arith.constant 0 : i32
    %dma_start3A_34 = tpu.memref_slice %arg2[%select_n3A, %select_n3A_30, %dma_start3A_33] : memref<4x8x100001xf32, #tpu.memory_space<hbm>> -> memref<1x1x100001xf32, #tpu.memory_space<hbm>>
    %dma_start3A_35 = tpu.memref_squeeze %dma_start3A_34 : memref<1x1x100001xf32, #tpu.memory_space<hbm>> -> memref<100001xf32, #tpu.memory_space<hbm>>
    tpu.enqueue_dma source(%dma_start3A_35 : memref<100001xf32, #tpu.memory_space<hbm>>) target(%arg5 : memref<100001xf32, #tpu.memory_space<vmem>>) target_semaphore(%arg9 : memref<!tpu.dma_semaphore, #tpu.memory_space<semaphore_mem>>)
    tpu.enqueue_dma source(%arg3 : memref<16384xi32, #tpu.memory_space<hbm>>) target(%arg6 : memref<16384xi32, #tpu.memory_space<vmem>>) target_semaphore(%arg10 : memref<!tpu.dma_semaphore, #tpu.memory_space<semaphore_mem>>)
    tpu.wait_dma2 semaphore(%arg10 : memref<!tpu.dma_semaphore, #tpu.memory_space<semaphore_mem>>) src(%arg3 : memref<16384xi32, #tpu.memory_space<hbm>>) dst(%arg6 : memref<16384xi32, #tpu.memory_space<vmem>>)
    %dma_wait3A = arith.constant 0 : i32
    %dma_wait3A_36 = tpu.memref_slice %arg2[%select_n3A, %select_n3A_30, %dma_wait3A] : memref<4x8x100001xf32, #tpu.memory_space<hbm>> -> memref<1x1x100001xf32, #tpu.memory_space<hbm>>
    %dma_wait3A_37 = tpu.memref_squeeze %dma_wait3A_36 : memref<1x1x100001xf32, #tpu.memory_space<hbm>> -> memref<100001xf32, #tpu.memory_space<hbm>>
    %dma_wait3A_38 = arith.constant 0 : i32
    %dma_wait3A_39 = tpu.memref_slice %arg2[%select_n3A, %select_n3A_30, %dma_wait3A_38] : memref<4x8x100001xf32, #tpu.memory_space<hbm>> -> memref<1x1x100001xf32, #tpu.memory_space<hbm>>
    %dma_wait3A_40 = tpu.memref_squeeze %dma_wait3A_39 : memref<1x1x100001xf32, #tpu.memory_space<hbm>> -> memref<100001xf32, #tpu.memory_space<hbm>>
    tpu.wait_dma2 semaphore(%arg9 : memref<!tpu.dma_semaphore, #tpu.memory_space<semaphore_mem>>) src(%dma_wait3A_40 : memref<100001xf32, #tpu.memory_space<hbm>>) dst(%arg5 : memref<100001xf32, #tpu.memory_space<vmem>>)
    %parallel_loop3A = arith.constant 0 : i32
    %parallel_loop3A_41 = arith.constant 4096 : i32
    %parallel_loop3A_42 = arith.constant 16 : i32
    scf.for %parallel_loop3A_100 = %parallel_loop3A to %parallel_loop3A_41 step %parallel_loop3A_42  : i32 {
      %parallel_loop3A_101 = arith.constant 0 : i32
      %parallel_loop3A_102 = arith.addi %parallel_loop3A_101, %parallel_loop3A_100 : i32
      %parallel_loop3A_103 = arith.index_cast %parallel_loop3A_102 : i32 to index
      %parallel_loop3A_104 = tpu.vector_load %arg6[%parallel_loop3A_103] {strides = array<i32>} : memref<16384xi32, #tpu.memory_space<vmem>>, vector<16xi32>,
      %parallel_loop3A_105 = tpu.vector_load_idx %arg5[%parallel_loop3A_104] : memref<100001xf32, #tpu.memory_space<vmem>>[vector<16xi32>], vector<16xf32>,
      %parallel_loop3A_106 = arith.index_cast %parallel_loop3A_100 : i32 to index
      %parallel_loop3A_107 = tpu.vector_load %arg7[%parallel_loop3A_106] {strides = array<i32>} : memref<4096xf32, #tpu.memory_space<vmem>>, vector<16xf32>,
      tpu.vector_store %arg7[%parallel_loop3A_106], %parallel_loop3A_105 {strides = array<i32>} : memref<4096xf32, #tpu.memory_space<vmem>>, vector<16xf32>,
    } {sc.loop_unroll_factor = 8 : i64, sc.parallel_access}
    %dma_start3A_43 = arith.constant 0 : i32
    %dma_start3A_44 = tpu.memref_slice %arg4[%select_n3A, %select_n3A_30, %dma_start3A_43] : memref<4x8x16384xf32, #tpu.memory_space<hbm>> -> memref<1x1x4096xf32, #tpu.memory_space<hbm>>
    %dma_start3A_45 = tpu.memref_squeeze %dma_start3A_44 : memref<1x1x4096xf32, #tpu.memory_space<hbm>> -> memref<4096xf32, #tpu.memory_space<hbm>>
    %dma_start3A_46 = arith.constant 0 : i32
    %dma_start3A_47 = tpu.memref_slice %arg4[%select_n3A, %select_n3A_30, %dma_start3A_46] : memref<4x8x16384xf32, #tpu.memory_space<hbm>> -> memref<1x1x4096xf32, #tpu.memory_space<hbm>>
    %dma_start3A_48 = tpu.memref_squeeze %dma_start3A_47 : memref<1x1x4096xf32, #tpu.memory_space<hbm>> -> memref<4096xf32, #tpu.memory_space<hbm>>
    tpu.enqueue_dma source(%arg7 : memref<4096xf32, #tpu.memory_space<vmem>>) target(%dma_start3A_48 : memref<4096xf32, #tpu.memory_space<hbm>>) target_semaphore(%arg11 : memref<!tpu.dma_semaphore, #tpu.memory_space<semaphore_mem>>)
    %parallel_loop3A_49 = arith.constant 0 : i32
    %parallel_loop3A_50 = arith.constant 4096 : i32
    %parallel_loop3A_51 = arith.constant 16 : i32
    scf.for %parallel_loop3A_100 = %parallel_loop3A_49 to %parallel_loop3A_50 step %parallel_loop3A_51  : i32 {
      %parallel_loop3A_101 = arith.constant 4096 : i32
      %parallel_loop3A_102 = arith.addi %parallel_loop3A_101, %parallel_loop3A_100 : i32
      %parallel_loop3A_103 = arith.index_cast %parallel_loop3A_102 : i32 to index
      %parallel_loop3A_104 = tpu.vector_load %arg6[%parallel_loop3A_103] {strides = array<i32>} : memref<16384xi32, #tpu.memory_space<vmem>>, vector<16xi32>,
      %parallel_loop3A_105 = tpu.vector_load_idx %arg5[%parallel_loop3A_104] : memref<100001xf32, #tpu.memory_space<vmem>>[vector<16xi32>], vector<16xf32>,
      %parallel_loop3A_106 = arith.index_cast %parallel_loop3A_100 : i32 to index
      %parallel_loop3A_107 = tpu.vector_load %arg8[%parallel_loop3A_106] {strides = array<i32>} : memref<4096xf32, #tpu.memory_space<vmem>>, vector<16xf32>,
      tpu.vector_store %arg8[%parallel_loop3A_106], %parallel_loop3A_105 {strides = array<i32>} : memref<4096xf32, #tpu.memory_space<vmem>>, vector<16xf32>,
    } {sc.loop_unroll_factor = 8 : i64, sc.parallel_access}
    %dma_start3A_52 = arith.constant 4096 : i32
    %dma_start3A_53 = tpu.memref_slice %arg4[%select_n3A, %select_n3A_30, %dma_start3A_52] : memref<4x8x16384xf32, #tpu.memory_space<hbm>> -> memref<1x1x4096xf32, #tpu.memory_space<hbm>>
    %dma_start3A_54 = tpu.memref_squeeze %dma_start3A_53 : memref<1x1x4096xf32, #tpu.memory_space<hbm>> -> memref<4096xf32, #tpu.memory_space<hbm>>
    %dma_start3A_55 = arith.constant 4096 : i32
    %dma_start3A_56 = tpu.memref_slice %arg4[%select_n3A, %select_n3A_30, %dma_start3A_55] : memref<4x8x16384xf32, #tpu.memory_space<hbm>> -> memref<1x1x4096xf32, #tpu.memory_space<hbm>>
    %dma_start3A_57 = tpu.memref_squeeze %dma_start3A_56 : memref<1x1x4096xf32, #tpu.memory_space<hbm>> -> memref<4096xf32, #tpu.memory_space<hbm>>
    tpu.enqueue_dma source(%arg8 : memref<4096xf32, #tpu.memory_space<vmem>>) target(%dma_start3A_57 : memref<4096xf32, #tpu.memory_space<hbm>>) target_semaphore(%arg12 : memref<!tpu.dma_semaphore, #tpu.memory_space<semaphore_mem>>)
    %dma_wait3A_58 = arith.constant 0 : i32
    %dma_wait3A_59 = tpu.memref_slice %arg4[%select_n3A, %select_n3A_30, %dma_wait3A_58] : memref<4x8x16384xf32, #tpu.memory_space<hbm>> -> memref<1x1x4096xf32, #tpu.memory_space<hbm>>
    %dma_wait3A_60 = tpu.memref_squeeze %dma_wait3A_59 : memref<1x1x4096xf32, #tpu.memory_space<hbm>> -> memref<4096xf32, #tpu.memory_space<hbm>>
    %dma_wait3A_61 = arith.constant 0 : i32
    %dma_wait3A_62 = tpu.memref_slice %arg4[%select_n3A, %select_n3A_30, %dma_wait3A_61] : memref<4x8x16384xf32, #tpu.memory_space<hbm>> -> memref<1x1x4096xf32, #tpu.memory_space<hbm>>
    %dma_wait3A_63 = tpu.memref_squeeze %dma_wait3A_62 : memref<1x1x4096xf32, #tpu.memory_space<hbm>> -> memref<4096xf32, #tpu.memory_space<hbm>>
    tpu.wait_dma2 semaphore(%arg11 : memref<!tpu.dma_semaphore, #tpu.memory_space<semaphore_mem>>) src(%arg7 : memref<4096xf32, #tpu.memory_space<vmem>>) dst(%dma_wait3A_63 : memref<4096xf32, #tpu.memory_space<hbm>>)
    %parallel_loop3A_64 = arith.constant 0 : i32
    %parallel_loop3A_65 = arith.constant 4096 : i32
    %parallel_loop3A_66 = arith.constant 16 : i32
    scf.for %parallel_loop3A_100 = %parallel_loop3A_64 to %parallel_loop3A_65 step %parallel_loop3A_66  : i32 {
      %parallel_loop3A_101 = arith.constant 8192 : i32
      %parallel_loop3A_102 = arith.addi %parallel_loop3A_101, %parallel_loop3A_100 : i32
      %parallel_loop3A_103 = arith.index_cast %parallel_loop3A_102 : i32 to index
      %parallel_loop3A_104 = tpu.vector_load %arg6[%parallel_loop3A_103] {strides = array<i32>} : memref<16384xi32, #tpu.memory_space<vmem>>, vector<16xi32>,
      %parallel_loop3A_105 = tpu.vector_load_idx %arg5[%parallel_loop3A_104] : memref<100001xf32, #tpu.memory_space<vmem>>[vector<16xi32>], vector<16xf32>,
      %parallel_loop3A_106 = arith.index_cast %parallel_loop3A_100 : i32 to index
      %parallel_loop3A_107 = tpu.vector_load %arg7[%parallel_loop3A_106] {strides = array<i32>} : memref<4096xf32, #tpu.memory_space<vmem>>, vector<16xf32>,
      tpu.vector_store %arg7[%parallel_loop3A_106], %parallel_loop3A_105 {strides = array<i32>} : memref<4096xf32, #tpu.memory_space<vmem>>, vector<16xf32>,
    } {sc.loop_unroll_factor = 8 : i64, sc.parallel_access}
    %dma_start3A_67 = arith.constant 8192 : i32
    %dma_start3A_68 = tpu.memref_slice %arg4[%select_n3A, %select_n3A_30, %dma_start3A_67] : memref<4x8x16384xf32, #tpu.memory_space<hbm>> -> memref<1x1x4096xf32, #tpu.memory_space<hbm>>
    %dma_start3A_69 = tpu.memref_squeeze %dma_start3A_68 : memref<1x1x4096xf32, #tpu.memory_space<hbm>> -> memref<4096xf32, #tpu.memory_space<hbm>>
    %dma_start3A_70 = arith.constant 8192 : i32
    %dma_start3A_71 = tpu.memref_slice %arg4[%select_n3A, %select_n3A_30, %dma_start3A_70] : memref<4x8x16384xf32, #tpu.memory_space<hbm>> -> memref<1x1x4096xf32, #tpu.memory_space<hbm>>
    %dma_start3A_72 = tpu.memref_squeeze %dma_start3A_71 : memref<1x1x4096xf32, #tpu.memory_space<hbm>> -> memref<4096xf32, #tpu.memory_space<hbm>>
    tpu.enqueue_dma source(%arg7 : memref<4096xf32, #tpu.memory_space<vmem>>) target(%dma_start3A_72 : memref<4096xf32, #tpu.memory_space<hbm>>) target_semaphore(%arg11 : memref<!tpu.dma_semaphore, #tpu.memory_space<semaphore_mem>>)
    %dma_wait3A_73 = arith.constant 4096 : i32
    %dma_wait3A_74 = tpu.memref_slice %arg4[%select_n3A, %select_n3A_30, %dma_wait3A_73] : memref<4x8x16384xf32, #tpu.memory_space<hbm>> -> memref<1x1x4096xf32, #tpu.memory_space<hbm>>
    %dma_wait3A_75 = tpu.memref_squeeze %dma_wait3A_74 : memref<1x1x4096xf32, #tpu.memory_space<hbm>> -> memref<4096xf32, #tpu.memory_space<hbm>>
    %dma_wait3A_76 = arith.constant 4096 : i32
    %dma_wait3A_77 = tpu.memref_slice %arg4[%select_n3A, %select_n3A_30, %dma_wait3A_76] : memref<4x8x16384xf32, #tpu.memory_space<hbm>> -> memref<1x1x4096xf32, #tpu.memory_space<hbm>>
    %dma_wait3A_78 = tpu.memref_squeeze %dma_wait3A_77 : memref<1x1x4096xf32, #tpu.memory_space<hbm>> -> memref<4096xf32, #tpu.memory_space<hbm>>
    tpu.wait_dma2 semaphore(%arg12 : memref<!tpu.dma_semaphore, #tpu.memory_space<semaphore_mem>>) src(%arg8 : memref<4096xf32, #tpu.memory_space<vmem>>) dst(%dma_wait3A_78 : memref<4096xf32, #tpu.memory_space<hbm>>)
    %parallel_loop3A_79 = arith.constant 0 : i32
    %parallel_loop3A_80 = arith.constant 4096 : i32
    %parallel_loop3A_81 = arith.constant 16 : i32
    scf.for %parallel_loop3A_100 = %parallel_loop3A_79 to %parallel_loop3A_80 step %parallel_loop3A_81  : i32 {
      %parallel_loop3A_101 = arith.constant 12288 : i32
      %parallel_loop3A_102 = arith.addi %parallel_loop3A_101, %parallel_loop3A_100 : i32
      %parallel_loop3A_103 = arith.index_cast %parallel_loop3A_102 : i32 to index
      %parallel_loop3A_104 = tpu.vector_load %arg6[%parallel_loop3A_103] {strides = array<i32>} : memref<16384xi32, #tpu.memory_space<vmem>>, vector<16xi32>,
      %parallel_loop3A_105 = tpu.vector_load_idx %arg5[%parallel_loop3A_104] : memref<100001xf32, #tpu.memory_space<vmem>>[vector<16xi32>], vector<16xf32>,
      %parallel_loop3A_106 = arith.index_cast %parallel_loop3A_100 : i32 to index
      %parallel_loop3A_107 = tpu.vector_load %arg8[%parallel_loop3A_106] {strides = array<i32>} : memref<4096xf32, #tpu.memory_space<vmem>>, vector<16xf32>,
      tpu.vector_store %arg8[%parallel_loop3A_106], %parallel_loop3A_105 {strides = array<i32>} : memref<4096xf32, #tpu.memory_space<vmem>>, vector<16xf32>,
    } {sc.loop_unroll_factor = 8 : i64, sc.parallel_access}
    %dma_start3A_82 = arith.constant 12288 : i32
    %dma_start3A_83 = tpu.memref_slice %arg4[%select_n3A, %select_n3A_30, %dma_start3A_82] : memref<4x8x16384xf32, #tpu.memory_space<hbm>> -> memref<1x1x4096xf32, #tpu.memory_space<hbm>>
    %dma_start3A_84 = tpu.memref_squeeze %dma_start3A_83 : memref<1x1x4096xf32, #tpu.memory_space<hbm>> -> memref<4096xf32, #tpu.memory_space<hbm>>
    %dma_start3A_85 = arith.constant 12288 : i32
    %dma_start3A_86 = tpu.memref_slice %arg4[%select_n3A, %select_n3A_30, %dma_start3A_85] : memref<4x8x16384xf32, #tpu.memory_space<hbm>> -> memref<1x1x4096xf32, #tpu.memory_space<hbm>>
    %dma_start3A_87 = tpu.memref_squeeze %dma_start3A_86 : memref<1x1x4096xf32, #tpu.memory_space<hbm>> -> memref<4096xf32, #tpu.memory_space<hbm>>
    tpu.enqueue_dma source(%arg8 : memref<4096xf32, #tpu.memory_space<vmem>>) target(%dma_start3A_87 : memref<4096xf32, #tpu.memory_space<hbm>>) target_semaphore(%arg12 : memref<!tpu.dma_semaphore, #tpu.memory_space<semaphore_mem>>)
    %dma_wait3A_88 = arith.constant 8192 : i32
    %dma_wait3A_89 = tpu.memref_slice %arg4[%select_n3A, %select_n3A_30, %dma_wait3A_88] : memref<4x8x16384xf32, #tpu.memory_space<hbm>> -> memref<1x1x4096xf32, #tpu.memory_space<hbm>>
    %dma_wait3A_90 = tpu.memref_squeeze %dma_wait3A_89 : memref<1x1x4096xf32, #tpu.memory_space<hbm>> -> memref<4096xf32, #tpu.memory_space<hbm>>
    %dma_wait3A_91 = arith.constant 8192 : i32
    %dma_wait3A_92 = tpu.memref_slice %arg4[%select_n3A, %select_n3A_30, %dma_wait3A_91] : memref<4x8x16384xf32, #tpu.memory_space<hbm>> -> memref<1x1x4096xf32, #tpu.memory_space<hbm>>
    %dma_wait3A_93 = tpu.memref_squeeze %dma_wait3A_92 : memref<1x1x4096xf32, #tpu.memory_space<hbm>> -> memref<4096xf32, #tpu.memory_space<hbm>>
    tpu.wait_dma2 semaphore(%arg11 : memref<!tpu.dma_semaphore, #tpu.memory_space<semaphore_mem>>) src(%arg7 : memref<4096xf32, #tpu.memory_space<vmem>>) dst(%dma_wait3A_93 : memref<4096xf32, #tpu.memory_space<hbm>>)
    %dma_wait3A_94 = arith.constant 12288 : i32
    %dma_wait3A_95 = tpu.memref_slice %arg4[%select_n3A, %select_n3A_30, %dma_wait3A_94] : memref<4x8x16384xf32, #tpu.memory_space<hbm>> -> memref<1x1x4096xf32, #tpu.memory_space<hbm>>
    %dma_wait3A_96 = tpu.memref_squeeze %dma_wait3A_95 : memref<1x1x4096xf32, #tpu.memory_space<hbm>> -> memref<4096xf32, #tpu.memory_space<hbm>>
    %dma_wait3A_97 = arith.constant 12288 : i32
    %dma_wait3A_98 = tpu.memref_slice %arg4[%select_n3A, %select_n3A_30, %dma_wait3A_97] : memref<4x8x16384xf32, #tpu.memory_space<hbm>> -> memref<1x1x4096xf32, #tpu.memory_space<hbm>>
    %dma_wait3A_99 = tpu.memref_squeeze %dma_wait3A_98 : memref<1x1x4096xf32, #tpu.memory_space<hbm>> -> memref<4096xf32, #tpu.memory_space<hbm>>
    tpu.wait_dma2 semaphore(%arg12 : memref<!tpu.dma_semaphore, #tpu.memory_space<semaphore_mem>>) src(%arg8 : memref<4096xf32, #tpu.memory_space<vmem>>) dst(%dma_wait3A_99 : memref<4096xf32, #tpu.memory_space<hbm>>)
    return
  }
}

module attributes {stable_mosaic.version = 14 : i64} {
  func.func @_mlp_t_body(%arg0: i32, %arg1: memref<32x8192xf32, #tpu.memory_space<vmem>>, %arg2: memref<32x256xf32, #tpu.memory_space<vmem>>, %arg3: memref<256x1xf32, #tpu.memory_space<vmem>>, %arg4: memref<256x128xf32, #tpu.memory_space<vmem>>, %arg5: memref<128x1xf32, #tpu.memory_space<vmem>>, %arg6: memref<128x64xf32, #tpu.memory_space<vmem>>, %arg7: memref<64x1xf32, #tpu.memory_space<vmem>>, %arg8: memref<64x8192xf32, #tpu.memory_space<vmem>>) attributes {dimension_semantics = [#tpu.dimension_semantics<parallel>], iteration_bounds = array<i64: 2>, scalar_prefetch = 0 : i64, scratch_operands = 0 : i64, tpu.core_type = #tpu.core_type<tc>, window_params = [{transform_indices = @transform_0, window_bounds = array<i64: 32, 8192>}, {pipeline_mode = #tpu.pipeline_mode<synchronous>, transform_indices = @transform_1, window_bounds = array<i64: 32, 256>}, {pipeline_mode = #tpu.pipeline_mode<synchronous>, transform_indices = @transform_2, window_bounds = array<i64: 256, 1>}, {pipeline_mode = #tpu.pipeline_mode<synchronous>, transform_indices = @transform_3, window_bounds = array<i64: 256, 128>}, {pipeline_mode = #tpu.pipeline_mode<synchronous>, transform_indices = @transform_4, window_bounds = array<i64: 128, 1>}, {pipeline_mode = #tpu.pipeline_mode<synchronous>, transform_indices = @transform_5, window_bounds = array<i64: 128, 64>}, {pipeline_mode = #tpu.pipeline_mode<synchronous>, transform_indices = @transform_6, window_bounds = array<i64: 64, 1>}, {transform_indices = @transform_7, window_bounds = array<i64: 64, 8192>}]} {
    %get3A = arith.constant 0 : index
    %get3A_0 = arith.constant 0 : index
    %get3A_1 = vector.load %arg2[%get3A, %get3A_0] : memref<32x256xf32, #tpu.memory_space<vmem>>, vector<32x256xf32>
    %get3A_2 = arith.constant 0 : index
    %get3A_3 = arith.constant 0 : index
    %get3A_4 = vector.load %arg1[%get3A_2, %get3A_3] : memref<32x8192xf32, #tpu.memory_space<vmem>>, vector<32x8192xf32>
    %dot_general3A = arith.constant dense<0.000000e+00> : vector<256x8192xf32>
    %dot_general3A_5 = tpu.matmul %get3A_1, %get3A_4, %dot_general3A {dimension_numbers = #tpu.dot_dimension_numbers<[0], [0], [1], [1], [0, 1, 1, 1], [], []>, transpose_lhs_hint = false} : vector<32x256xf32>, vector<32x8192xf32>, vector<256x8192xf32> -> vector<256x8192xf32>
    %get3A_6 = arith.constant 0 : index
    %get3A_7 = arith.constant 0 : index
    %get3A_8 = vector.load %arg3[%get3A_6, %get3A_7] : memref<256x1xf32, #tpu.memory_space<vmem>>, vector<256x1xf32>
    %add3A = vector.broadcast %get3A_8 : vector<256x1xf32> to vector<256x8192xf32>
    %add3A_9 = arith.addf %dot_general3A_5, %add3A : vector<256x8192xf32>
    %max3A = arith.constant 0.000000e+00 : f32
    %max3A_10 = vector.broadcast %max3A : f32 to vector<256x8192xf32>
    %max3A_11 = arith.maximumf %add3A_9, %max3A_10 : vector<256x8192xf32>
    %get3A_12 = arith.constant 0 : index
    %get3A_13 = arith.constant 0 : index
    %get3A_14 = vector.load %arg4[%get3A_12, %get3A_13] : memref<256x128xf32, #tpu.memory_space<vmem>>, vector<256x128xf32>
    %dot_general3A_15 = arith.constant dense<0.000000e+00> : vector<128x8192xf32>
    %dot_general3A_16 = tpu.matmul %get3A_14, %max3A_11, %dot_general3A_15 {dimension_numbers = #tpu.dot_dimension_numbers<[0], [0], [1], [1], [0, 1, 1, 1], [], []>, transpose_lhs_hint = false} : vector<256x128xf32>, vector<256x8192xf32>, vector<128x8192xf32> -> vector<128x8192xf32>
    %get3A_17 = arith.constant 0 : index
    %get3A_18 = arith.constant 0 : index
    %get3A_19 = vector.load %arg5[%get3A_17, %get3A_18] : memref<128x1xf32, #tpu.memory_space<vmem>>, vector<128x1xf32>
    %add3A_20 = vector.broadcast %get3A_19 : vector<128x1xf32> to vector<128x8192xf32>
    %add3A_21 = arith.addf %dot_general3A_16, %add3A_20 : vector<128x8192xf32>
    %max3A_22 = arith.constant 0.000000e+00 : f32
    %max3A_23 = vector.broadcast %max3A_22 : f32 to vector<128x8192xf32>
    %max3A_24 = arith.maximumf %add3A_21, %max3A_23 : vector<128x8192xf32>
    %get3A_25 = arith.constant 0 : index
    %get3A_26 = arith.constant 0 : index
    %get3A_27 = vector.load %arg6[%get3A_25, %get3A_26] : memref<128x64xf32, #tpu.memory_space<vmem>>, vector<128x64xf32>
    %dot_general3A_28 = arith.constant dense<0.000000e+00> : vector<64x8192xf32>
    %dot_general3A_29 = tpu.matmul %get3A_27, %max3A_24, %dot_general3A_28 {dimension_numbers = #tpu.dot_dimension_numbers<[0], [0], [1], [1], [0, 1, 1, 1], [], []>, transpose_lhs_hint = false} : vector<128x64xf32>, vector<128x8192xf32>, vector<64x8192xf32> -> vector<64x8192xf32>
    %get3A_30 = arith.constant 0 : index
    %get3A_31 = arith.constant 0 : index
    %get3A_32 = vector.load %arg7[%get3A_30, %get3A_31] : memref<64x1xf32, #tpu.memory_space<vmem>>, vector<64x1xf32>
    %add3A_33 = vector.broadcast %get3A_32 : vector<64x1xf32> to vector<64x8192xf32>
    %add3A_34 = arith.addf %dot_general3A_29, %add3A_33 : vector<64x8192xf32>
    %swap3A = arith.constant 0 : index
    %swap3A_35 = arith.constant 0 : index
    %swap3A_36 = vector.load %arg8[%swap3A, %swap3A_35] : memref<64x8192xf32, #tpu.memory_space<vmem>>, vector<64x8192xf32>
    tpu.vector_store %arg8[%swap3A, %swap3A_35], %add3A_34 {strides = array<i32>} : memref<64x8192xf32, #tpu.memory_space<vmem>>, vector<64x8192xf32>,
    return
  }
  func.func @transform_0(%arg0: i32) -> (i32, i32) {
    %c0_i32 = arith.constant 0 : i32
    %c0_i32_0 = arith.constant 0 : i32
    return %c0_i32, %arg0 : i32, i32
  }
  func.func @transform_1(%arg0: i32) -> (i32, i32) {
    %c0_i32 = arith.constant 0 : i32
    %c0_i32_0 = arith.constant 0 : i32
    %c0_i32_1 = arith.constant 0 : i32
    return %c0_i32, %c0_i32_0 : i32, i32
  }
  func.func @transform_2(%arg0: i32) -> (i32, i32) {
    %c0_i32 = arith.constant 0 : i32
    %c0_i32_0 = arith.constant 0 : i32
    %c0_i32_1 = arith.constant 0 : i32
    return %c0_i32, %c0_i32_0 : i32, i32
  }
  func.func @transform_3(%arg0: i32) -> (i32, i32) {
    %c0_i32 = arith.constant 0 : i32
    %c0_i32_0 = arith.constant 0 : i32
    %c0_i32_1 = arith.constant 0 : i32
    return %c0_i32, %c0_i32_0 : i32, i32
  }
  func.func @transform_4(%arg0: i32) -> (i32, i32) {
    %c0_i32 = arith.constant 0 : i32
    %c0_i32_0 = arith.constant 0 : i32
    %c0_i32_1 = arith.constant 0 : i32
    return %c0_i32, %c0_i32_0 : i32, i32
  }
  func.func @transform_5(%arg0: i32) -> (i32, i32) {
    %c0_i32 = arith.constant 0 : i32
    %c0_i32_0 = arith.constant 0 : i32
    %c0_i32_1 = arith.constant 0 : i32
    return %c0_i32, %c0_i32_0 : i32, i32
  }
  func.func @transform_6(%arg0: i32) -> (i32, i32) {
    %c0_i32 = arith.constant 0 : i32
    %c0_i32_0 = arith.constant 0 : i32
    %c0_i32_1 = arith.constant 0 : i32
    return %c0_i32, %c0_i32_0 : i32, i32
  }
  func.func @transform_7(%arg0: i32) -> (i32, i32) {
    %c0_i32 = arith.constant 0 : i32
    %c0_i32_0 = arith.constant 0 : i32
    return %c0_i32, %arg0 : i32, i32
  }
}

</mosaic_0001>

<sc_bundles>
// kernel: kernel.4.cloned.1.call-start
scs
__scs_entry_jumppad:
0x0: {  	(pc) =	sbr.rel $0x88, $3  }
0x1: {  	(tag) =	ssettag $0x0;
	lr =	simm.s32 $0x1  }
0x2: {  	[smem:$0x3F99] =	sst lr;
	_ =	strace $0xD0000000  }
0x3: {  	_ = 	snop  }
0x4: {  	_ = 	snop  }
0x5: {  	_ = 	snop  }
0x6: {  	_ = 	snop  }
0x7: {  	_ = 	snop  }
__scs_overlays_trampoline_lowered:
0x8: {  	[smem:$0x3FA8] =	sst s0  }
0x9: {  	[smem:$0x3FA9] =	sst s1  }
0xa: {  	[smem:$0x3FAA] =	sst s2  }
0xb: {  	[smem:$0x3FAB] =	sst s3  }
0xc: {  	[smem:$0x3FAC] =	sst s4  }
0xd: {  	[smem:$0x3FAD] =	sst s5  }
0xe: {  	[smem:$0x3FAE] =	sst s6  }
0xf: {  	[smem:$0x3FAF] =	sst s7  }
0x10: {  	[smem:$0x3FB0] =	sst s8  }
0x11: {  	[smem:$0x3FB1] =	sst s9;
	s0 =	simm.s32 @!p0 $0x0  }
0x12: {  	s1 =	sld [smem:$0x3F97];
	s0 =	simm.s32 @p0 $0x1  }
0x13: {  	[smem:$0x3FB2] =	sst s0;
	s0 =	simm.s32 @!p1 $0x0  }
0x14: {  	s2 =	sld [smem:$0x3F96];
	s0 =	simm.s32 @p1 $0x1  }
0x15: {  	[smem:$0x3FB3] =	sst s0;
	s0 =	simm.s32 @!p2 $0x0  }
0x16: {  	s3 =	sld [smem:$0x3FDB];
	s0 =	simm.s32 @p2 $0x1  }
0x17: {  	s4 =	simm.s32 $0x1BF5;
	[smem:$0x3FB5] =	sst s0  }
0x18: {  	s0 =	sld [smem:$0x3F98];
	_ =	swait.ge [sflag:s4], $0x0  }
0x19: {  	s7 =	sld [smem:$0x3F99]  }
0x1a: {  	s8 =	sadd.s32 $0xFFFFE003, lr  }
0x1b: {  	s9 =	sadd.s32 $0xFFFFFEF7, lr;
	s5 =	simm.s32 $0xFFFFFFFF;
	p2 =	slt.u32 s8, $0xFFFFF086  }
0x1c: {  	p1 =	slt.u32 s9, $0xF7A;
	s5 =	simm.s32 @!p2 $0x0  }
0x1d: {  	s5 =	simm.s32 @p1 $0x1;
	p0 =	seq.s32 s7, s2  }
0x1e: {  	s7 =	smul.u32 @!p0 $0xF7A, s2;
	p2 =	seq.s32 @!p0 s5, $0x0  }
0x1f: {  	s9 =	smul.u32 $0xF7A, s1;
	s8 =	simm.s32 @!p0 $0x1BF5;
	p2 =	por !p2, p0  }
0x20: {  	[sflag:s8] =	ssyncset.s32 @!p0 $0xFFFFF086;
	s6 =	sadd.s32 @!p0 s3, s7;
	s7 =	simm.s32 @!p0 $0x108  }
0x21: {  	s3 =	sadd.s32 s3, s9;
	s6 =	sadd.s32 @!p0 $0x88, s6;
	s7 =	simm.s32 @p2 $0x1082  }
0x22: {  	[simem:s7], [sflag:s8] =	dma.local @!p0 [hbm:s6], $0xF7A  }
0x23: {  	s9 =	sor.u32 $0xD0000000, s2;
	s6 =	simm.s32 $0x108;
	_ =	swait.ge @!p0 [sflag:s8], $0x0  }
0x24: {  	s3 =	sadd.s32 $0x88, s3;
	s6 =	simm.s32 @!p1 $0x1082;
	[sflag:s4] =	ssyncset.s32 $0xFFFFF086  }
0x25: {  	[simem:s6], [sflag:s4] =	dma.local [hbm:s3], $0xF7A  }
0x26: {  	[smem:$0x3F99] =	sst s1;
	(tag) =	ssettag s2;
	_ =	strace s9  }
0x27: {  	s1 =	sld [smem:$0x3FA9]  }
0x28: {  	s2 =	sld [smem:$0x3FAA]  }
0x29: {  	s4 =	sld [smem:$0x3FAC]  }
0x2a: {  	p0 =	seq.s32 s5, $0x0;
	s5 =	sld [smem:$0x3FAD]  }
0x2b: {  	s6 =	sld [smem:$0x3FAE]  }
0x2c: {  	s7 =	sld [smem:$0x3FAF]  }
0x2d: {  	s3 =	simm.s32 $0x108;
	s8 =	sld [smem:$0x3FB0]  }
0x2e: {  	s3 =	simm.s32 @!p0 $0x1082;
	s9 =	sld [smem:$0x3FB1]  }
0x2f: {  	lr =	sadd.s32 s0, s3;
	s0 =	sld [smem:$0x3FA8]  }
0x30: {  	s3 =	sld [smem:$0x3FAB]  }
0x31: {  	[smem:$0x3FB4] =	sst s10  }
0x32: {  	s10 =	sld [smem:$0x3FB2];
	_ =	sdelay $0x3  }
0x33: {  	p0 =	seq.s32 s10, $0x1;
	s10 =	sld [smem:$0x3FB4];
	_ =	sdelay $0x3  }
0x34: {  	[smem:$0x3FB4] =	sst s10  }
0x35: {  	s10 =	sld [smem:$0x3FB3];
	_ =	sdelay $0x3  }
0x36: {  	p1 =	seq.s32 s10, $0x1;
	s10 =	sld [smem:$0x3FB4];
	_ =	sdelay $0x3  }
0x37: {  	[smem:$0x3FB4] =	sst s10  }
0x38: {  	s10 =	sld [smem:$0x3FB5]  }
0x39: {  	_ = 	snop;
	(pc) =	sbr.ind lr, $3  }
0x3a: {  	_ = 	snop  }
0x3b: {  	_ = 	snop  }
0x3c: {  	p2 =	seq.s32 s10, $0x1;
	s10 =	sld [smem:$0x3FB4]  }
0x3d: {  	_ =	shalt  }
0x3e: {  	_ =	shalt  }
0x3f: {  	_ =	shalt  }
0x40: {  	_ =	shalt  }
0x41: {  	_ =	shalt  }
0x42: {  	_ =	shalt  }
0x43: {  	_ =	shalt  }
0x44: {  	_ =	shalt  }
0x45: {  	_ =	shalt  }
0x46: {  	_ =	shalt  }
0x47: {  	_ =	shalt  }
0x48: {  	_ =	shalt  }
0x49: {  	_ =	shalt  }
0x4a: {  	_ =	shalt  }
0x4b: {  	_ =	shalt  }
0x4c: {  	_ =	shalt  }
0x4d: {  	_ =	shalt  }
0x4e: {  	_ =	shalt  }
0x4f: {  	_ =	shalt  }
0x50: {  	_ =	shalt  }
0x51: {  	_ =	shalt  }
0x52: {  	_ =	shalt  }
0x53: {  	_ =	shalt  }
0x54: {  	_ =	shalt  }
0x55: {  	_ =	shalt  }
0x56: {  	_ =	shalt  }
0x57: {  	_ =	shalt  }
0x58: {  	_ =	shalt  }
0x59: {  	_ =	shalt  }
0x5a: {  	_ =	shalt  }
0x5b: {  	_ =	shalt  }
0x5c: {  	_ =	shalt  }
0x5d: {  	_ =	shalt  }
0x5e: {  	_ =	shalt  }
0x5f: {  	_ =	shalt  }
0x60: {  	_ =	shalt  }
0x61: {  	_ =	shalt  }
0x62: {  	_ =	shalt  }
0x63: {  	_ =	shalt  }
0x64: {  	_ =	shalt  }
0x65: {  	_ =	shalt  }
0x66: {  	_ =	shalt  }
0x67: {  	_ =	shalt  }
0x68: {  	_ =	shalt  }
0x69: {  	_ =	shalt  }
0x6a: {  	_ =	shalt  }
0x6b: {  	_ =	shalt  }
0x6c: {  	_ =	shalt  }
0x6d: {  	_ =	shalt  }
0x6e: {  	_ =	shalt  }
0x6f: {  	_ =	shalt  }
0x70: {  	_ =	shalt  }
0x71: {  	_ =	shalt  }
0x72: {  	_ =	shalt  }
0x73: {  	_ =	shalt  }
0x74: {  	_ =	shalt  }
0x75: {  	_ =	shalt  }
0x76: {  	_ =	shalt  }
0x77: {  	_ =	shalt  }
0x78: {  	_ =	shalt  }
0x79: {  	_ =	shalt  }
0x7a: {  	_ =	shalt  }
0x7b: {  	_ =	shalt  }
0x7c: {  	_ =	shalt  }
0x7d: {  	_ =	shalt  }
0x7e: {  	_ =	shalt  }
0x7f: {  	_ =	shalt  }
0x80: {  	_ =	shalt  }
0x81: {  	_ =	shalt  }
0x82: {  	_ =	shalt  }
0x83: {  	_ =	shalt  }
0x84: {  	_ =	shalt  }
0x85: {  	_ =	shalt  }
0x86: {  	_ =	shalt  }
0x87: {  	_ =	shalt  }
.Lfunc_end0:
.L_simem_size_0:
called_computation_lowered:
.L_overlay_start_0:
0x88: {  	s2 =	sld [smem:$0x3FD9]  }
0x89: {  	s3 =	sld [smem:$0x3FFE];
	_ =	sdelay $0x1  }
0x8a: {  	s1 =	srdreg.scid  }
0x8b: {  	s0 =	sand.u32 $0x1, s1  }
0x8c: {  	s18 =	sshll.u32 s0, $0xA;
	s2 =	sadd.s32 s3, s2  }
0x8d: {  	s2 =	sadd.s32 s2, s18  }
0x8e: {  	[smem:$0x3FC0] =	sst s2  }
0x8f: {  	_ = 	snop  }
0x90: {  	s2 =	sld [smem:$0x3FC9]  }
0x91: {  	s19 =	sld [smem:$0x3FC8]  }
0x92: {  	s4 =	sld [smem:$0x3FD0];
	(tm) =	ssettm $0x1  }
0x93: {  	s5 =	sld [smem:$0x3FFB];
	_ =	sdelay $0x3  }
0x94: {  	_ =	strace s5  }
0x95: {  	s5 =	sld [smem:$0x3FFC];
	_ =	sdelay $0x3  }
0x96: {  	_ =	strace s5  }
0x97: {  	s5 =	sld [smem:$0x3FFD];
	_ =	sdelay $0x3  }
0x98: {  	_ =	strace s5  }
0x99: {  	_ =	strace $0x8FFFFFFF  }
0x9a: {  	s20 =	sld [smem:$0x3FDB];
	_ =	sdelay $0x1  }
0x9b: {  	s6 =	simm.s32 $_scs_section_size  }
0x9c: {  	s7 =	simm.s32 $_size__tile_overlayer_lowered;
	s8 =	simm.s32 $_tile_overlayer_lowered  }
0x9d: {  	s23 =	simm.s32 $0x1BFF;
	s22 =	sshll.u32 s8, $0x1;
	s5 =	sadd.s32 s6, s20  }
0x9e: {  	s9 =	simm.s32 $0x0;
	s21 =	sshll.u32 s7, $0x1;
	s7 =	sadd.s32 s22, s5  }
0x9f: {  	[timem:s9], [sflag:s23] =	dma.local [hbm:s7], s21  }
0xa0: {  	_ =	swait.ge [sflag:s23], s21  }
0xa1: {  	s6 =	ssub.s32 $0x0, s21;
	[sflag:s23] =	ssyncset.done $0x0  }
0xa2: {  	[sflag:s23] =	ssyncadd.s32 s6;
	_ =	sdelay $0x1  }
0xa3: {  	s24 =	simm.s32 $0x1B8B  }
0xa4: {  	_ =	swait.ge [sflag:s24], $0x1  }
0xa5: {  	[sflag:s24] =	ssyncset.done $0x0  }
0xa6: {  	s25 =	simm.s32 $0x1B8E;
	[sflag:s24] =	ssyncadd.s32 $0xFFFFFFFF  }
0xa7: {  	s26 =	simm.s32 $execute0_lowered;
	[smem:$0x3FD2] =	sst s25  }
0xa8: {  	s6 =	sshll.u32 s26, $0x1;
	_ =	strace $0x80000046;
	[dreg:$0x1] =	wrdreg $0xFFFFFFFF  }
0xa9: {  	s28 =	simm.s32 $_size_execute0_lowered;
	s5 =	sadd.s32 s5, s6;
	[dreg:$0x0] =	wrdreg $0x0  }
0xaa: {  	s6 =	sshll.u32 s28, $0x1;
	[dreg:$0x2] =	wrdreg s5  }
0xab: {  	[dreg:$0x3] =	wrdreg s6  }
0xac: {  	[dreg:$0x4] =	wrdreg $0xC0  }
0xad: {  	_ =	task [dreg:s9], $0x5FFFF  }
0xae: {  	[dreg:$0x1] =	wrdreg $0xFFFFFFFF  }
0xaf: {  	[dreg:$0x0] =	wrdreg $0x60  }
0xb0: {  	[dreg:$0x2] =	wrdreg s19  }
0xb1: {  	[dreg:$0x3] =	wrdreg s2  }
0xb2: {  	[dreg:$0x4] =	wrdreg s4  }
0xb3: {  	[dreg:$0x5] =	wrdreg $0x9  }
0xb4: {  	_ =	task.clear_ibuf [dreg:s9], $0x6FFFF;
	_ =	strace $0x90000046  }
0xb5: {  	s29 =	simm.s32 $0x9;
	_ =	strace $0x80000048  }
0xb6: {  	_ =	swait.ge [sflag:s29], $0x1  }
0xb7: {  	[sflag:s29] =	ssyncadd.s32 $0xFFFFFFFF  }
0xb8: {  	_ =	strace $0x90000048  }
0xb9: {  	_ =	sfence  }
0xba: {  	s30 =	sld [smem:$0x0];
	_ =	sdelay $0x2  }
0xbb: {  	s31 =	sshll.u32 s1, $0xD;
	s1 =	sshrl.u32 s1, $0x2  }
0xbc: {  	s3 =	sand.u32 $0x4000, s31;
	s1 =	sadd.s32 s1, s30  }
0xbd: {  	s0 =	sor.u32 s3, s0;
	s1 =	sshll.u32 s1, $0x11  }
0xbe: {  	s0 =	sor.u32 s1, s0  }
0xbf: {  	s0 =	sadd.s32 $0x8F2B, s0  }
0xc0: {  	[sflag:s0] =	ssyncadd.remote.s32 $0x1  }
0xc1: {  	_ =	sfence.sel $0xFFFF  }
0xc2: {  	[dreg:$0x0] =	wrdreg $0xFFFFFFFF;
	(pc) =	sbr.abs _section_cstart, $3  }
0xc3: {  	[dreg:$0x1] =	wrdreg $0xFFFFFFFF  }
0xc4: {  	_ =	task.clear_ibuf [dreg:s9], $0x2FFFF;
	_ =	strace $0x9FFFFFFF  }
0xc5: {  	(tm) =	ssettm $0x7FFFFFFF  }
tec
execute0_lowered:
.L_overlay_start_1:
0x0: {  	(tag) =	ssettag $0x1  }
0x1: {  	s5 =	rddreg [dreg:$0x0]  }
0x2: {  	s2 =	rddreg [dreg:$0x1]  }
0x3: {  	s4 =	rddreg [dreg:$0x2];
	s1 =	stileid.u32  }
0x4: {  	s0 =	rddreg [dreg:$0x3];
	s6 =	srdreg.scid;
	s3 =	simm.s32 $0x0  }
0x5: {  	s11 =	simm.s32 $0x400;
	s12 =	simm.s32 $0x18700;
	s13 =	simm.s32 $0x2  }
0x6: {  	s14 =	simm.s32 $0x1;
	s15 =	simm.s32 $0x1C700;
	s16 =	simm.s32 $0x1D700  }
0x7: {  	s17 =	simm.s32 $0x3;
	s18 =	simm.s32 $0x4;
	s19 =	simm.s32 $0x0  }
0x8: {  	s7 =	sshll.u32 s1, $0x1;
	s6 =	sand.u32 $0x1, s6;
	s8 =	sshrl.u32 s1, $0x2  }
0x9: {  	[smem:$0x7FF] =	sst s3;
	s7 =	sand.u32 $0x6, s7;
	s9 =	smul.u32 $0xC3800, s8  }
0xa: {  	s8 =	sshll.u32 s8, $0x11;
	s7 =	sor.u32 s6, s7;
	s6 =	ssub.s32 $0x2, s6  }
0xb: {  	_ =	strace $0x80000047;
	s7 =	sshll.u32 s7, $0x7;
	s10 =	sshrl.u32 s6, $0x1  }
0xc: {  	s8 =	sor.u32 s8, s7;
	s7 =	sor.u32 s9, s7;
	s30 =	ssub.s32 s6, s10  }
0xd: {  	s10 =	simm.s32 $0x80;
	s8 =	sshrl.u32 s8, $0x3;
	s31 =	sshrl.u32 s7, $0x3  }
0xe: {  	s9 =	smax.u32 s30, $0x1;
	s4 =	sadd.s32 s4, s8;
	s5 =	sadd.s32 s5, s31  }
0xf: {  	s6 =	sadd.s32 $0x1000, s4;
	s7 =	sadd.s32 $0x2000, s4;
	s8 =	sadd.s32 $0x3000, s4  }
.LBB2_1:
0x10: {  	[tilespmem:s3], [sflag:$0x1] =	stream.strided.gather [hbm4b:s5+s10], $0x18700, s11, s10, $0x38;
	[tilespmem:$0x1E700] =	vst v63  }
0x11: {  	_ = 	snop  }
0x12: {  	[tilespmem:s12], [sflag:$0x2] =	stream.linear.gather [hbm4b:s2+s3], $0x4000, $0x38;
	[tilespmem:$0x1E700] =	vst v63  }
0x13: {  	_ =	swait.ge [sflag:s13], $0x4000  }
0x14: {  	[sflag:s13] =	ssyncset.done $0x0  }
0x15: {  	[sflag:s13] =	ssyncadd.s32 $0xFFFFC000  }
0x16: {  	_ =	swait.ge [sflag:s14], $0x18700  }
0x17: {  	[sflag:s14] =	ssyncset.done $0x0  }
0x18: {  	s20 =	simm.s32 $0x18740;
	[sflag:s14] =	ssyncadd.s32 $0xFFFE7900  }
0x19: {  	v0 =	vld [tilespmem:s20+$0x30]  }
0x1a: {  	v1 =	vld [tilespmem:s20+$0xFFFFFFD0]  }
0x1b: {  	v2 =	vld [tilespmem:s20+$0xFFFFFFE0]  }
0x1c: {  	v3 =	vld [tilespmem:s20+$0xFFFFFFF0]  }
0x1d: {  	v4 =	vld [tilespmem:s20+$0x0]  }
0x1e: {  	v6 =	vld [tilespmem:s20+$0x10]  }
0x1f: {  	v7 =	vld [tilespmem:s20+$0x20]  }
0x20: {  	v8 =	vld [tilespmem:s20+$0xFFFFFFC0]  }
0x21: {  	v9 =	vld.idx.msk [tilespmem:v0+s3+$0x0], $0xffff  }
0x22: {  	v10 =	vld.idx.msk [tilespmem:v1+s3+$0x0], $0xffff  }
0x23: {  	v5 =	vld.idx.msk [tilespmem:v2+s3+$0x0], $0xffff  }
0x24: {  	v3 =	vld.idx.msk [tilespmem:v3+s3+$0x0], $0xffff  }
0x25: {  	v0 =	vld.idx.msk [tilespmem:v4+s3+$0x0], $0xffff  }
0x26: {  	s20 =	simm.s32 $0x1C740;
	v1 =	vld.idx.msk [tilespmem:v6+s3+$0x0], $0xffff  }
0x27: {  	v2 =	vld.idx.msk [tilespmem:v7+s3+$0x0], $0xffff;
	[tilespmem:s20+$0x30] =	vst v9  }
0x28: {  	s21 =	simm.s32 $0x0;
	s22 =	simm.s32 $0x187C0;
	v4 =	vld.idx.msk [tilespmem:v8+s3+$0x0], $0xffff;
	[tilespmem:s20+$0xFFFFFFD0] =	vst v10  }
.LBB2_2:
0x29: {  	v6 =	vld [tilespmem:s22+$0x30];
	s21 =	sadd.s32 $0x80, s21;
	[tilespmem:s20+$0xFFFFFFE0] =	vst v5  }
0x2a: {  	v5 =	vld [tilespmem:s22+$0xFFFFFFD0];
	p0 =	slt.u32 s21, $0xF80;
	[tilespmem:s20+$0xFFFFFFF0] =	vst v3  }
0x2b: {  	v3 =	vld [tilespmem:s22+$0xFFFFFFE0];
	[tilespmem:s20+$0x0] =	vst v0  }
0x2c: {  	v0 =	vld [tilespmem:s22+$0xFFFFFFF0];
	[tilespmem:s20+$0x10] =	vst v1  }
0x2d: {  	v1 =	vld [tilespmem:s22+$0x0];
	[tilespmem:s20+$0x20] =	vst v2  }
0x2e: {  	v2 =	vld [tilespmem:s22+$0x10];
	[tilespmem:s20+$0xFFFFFFC0] =	vst v4  }
0x2f: {  	v4 =	vld [tilespmem:s22+$0x20]  }
0x30: {  	v7 =	vld [tilespmem:s22+$0xFFFFFFC0]  }
0x31: {  	v6 =	vld.idx.msk [tilespmem:v6+s3+$0x0], $0xffff  }
0x32: {  	v8 =	vld.idx.msk [tilespmem:v5+s3+$0x0], $0xffff  }
0x33: {  	v5 =	vld.idx.msk [tilespmem:v3+s3+$0x0], $0xffff  }
.Ltmp0:
0x34: {  	v3 =	vld.idx.msk [tilespmem:v0+s3+$0x0], $0xffff;
	(pc) =	sbr.rel @p0 .LBB2_2-.Ltmp0, $4  }
0x35: {  	v0 =	vld.idx.msk [tilespmem:v1+s3+$0x0], $0xffff  }
0x36: {  	s20 =	sadd.s32 $0x80, s20;
	v1 =	vld.idx.msk [tilespmem:v2+s3+$0x0], $0xffff  }
0x37: {  	v2 =	vld.idx.msk [tilespmem:v4+s3+$0x0], $0xffff;
	[tilespmem:s20+$0x30] =	vst v6  }
0x38: {  	s22 =	sadd.s32 $0x80, s22;
	v4 =	vld.idx.msk [tilespmem:v7+s3+$0x0], $0xffff;
	[tilespmem:s20+$0xFFFFFFD0] =	vst v8  }
0x39: {  	[tilespmem:s20+$0xFFFFFFE0] =	vst v5  }
0x3a: {  	[tilespmem:s20+$0xFFFFFFF0] =	vst v3  }
0x3b: {  	[tilespmem:s20+$0x0] =	vst v0  }
0x3c: {  	[tilespmem:s20+$0x10] =	vst v1  }
0x3d: {  	[tilespmem:s20+$0x20] =	vst v2  }
0x3e: {  	s31 =	simm.s32 $0x19770;
	[tilespmem:s20+$0xFFFFFFC0] =	vst v4  }
0x3f: {  	[hbm4b:s4+s10] =	stream.strided.scatter [tilespmem:s15], [sflag:$0x3], $0x1000, s11, s10, $0x38;
	[tilespmem:$0x1E700] =	vst v63  }
0x40: {  	v0 =	vld [tilespmem:s31+$0x0]  }
0x41: {  	v1 =	vld [tilespmem:s31+$0xFFFFFFA0]  }
0x42: {  	v2 =	vld [tilespmem:s31+$0xFFFFFFB0]  }
0x43: {  	v3 =	vld [tilespmem:s31+$0xFFFFFFC0]  }
0x44: {  	v4 =	vld [tilespmem:s31+$0xFFFFFFD0]  }
0x45: {  	v6 =	vld [tilespmem:s31+$0xFFFFFFE0]  }
0x46: {  	v7 =	vld [tilespmem:s31+$0xFFFFFFF0]  }
0x47: {  	v8 =	vld [tilespmem:s31+$0xFFFFFF90]  }
0x48: {  	v9 =	vld.idx.msk [tilespmem:v0+s3+$0x0], $0xffff  }
0x49: {  	v10 =	vld.idx.msk [tilespmem:v1+s3+$0x0], $0xffff  }
0x4a: {  	v5 =	vld.idx.msk [tilespmem:v2+s3+$0x0], $0xffff  }
0x4b: {  	v3 =	vld.idx.msk [tilespmem:v3+s3+$0x0], $0xffff  }
0x4c: {  	v0 =	vld.idx.msk [tilespmem:v4+s3+$0x0], $0xffff  }
0x4d: {  	s20 =	simm.s32 $0x1D740;
	v1 =	vld.idx.msk [tilespmem:v6+s3+$0x0], $0xffff  }
0x4e: {  	v2 =	vld.idx.msk [tilespmem:v7+s3+$0x0], $0xffff;
	[tilespmem:s20+$0x30] =	vst v9  }
0x4f: {  	s21 =	simm.s32 $0x0;
	s22 =	simm.s32 $0x197F0;
	v4 =	vld.idx.msk [tilespmem:v8+s3+$0x0], $0xffff;
	[tilespmem:s20+$0xFFFFFFD0] =	vst v10  }
.LBB2_4:
0x50: {  	v6 =	vld [tilespmem:s22+$0x0];
	s21 =	sadd.s32 $0x80, s21;
	[tilespmem:s20+$0xFFFFFFE0] =	vst v5  }
0x51: {  	v5 =	vld [tilespmem:s22+$0xFFFFFFA0];
	p0 =	slt.u32 s21, $0xF80;
	[tilespmem:s20+$0xFFFFFFF0] =	vst v3  }
0x52: {  	v3 =	vld [tilespmem:s22+$0xFFFFFFB0];
	[tilespmem:s20+$0x0] =	vst v0  }
0x53: {  	v0 =	vld [tilespmem:s22+$0xFFFFFFC0];
	[tilespmem:s20+$0x10] =	vst v1  }
0x54: {  	v1 =	vld [tilespmem:s22+$0xFFFFFFD0];
	[tilespmem:s20+$0x20] =	vst v2  }
0x55: {  	v2 =	vld [tilespmem:s22+$0xFFFFFFE0];
	[tilespmem:s20+$0xFFFFFFC0] =	vst v4  }
0x56: {  	v4 =	vld [tilespmem:s22+$0xFFFFFFF0]  }
0x57: {  	v7 =	vld [tilespmem:s22+$0xFFFFFF90]  }
0x58: {  	v6 =	vld.idx.msk [tilespmem:v6+s3+$0x0], $0xffff  }
0x59: {  	v8 =	vld.idx.msk [tilespmem:v5+s3+$0x0], $0xffff  }
0x5a: {  	v5 =	vld.idx.msk [tilespmem:v3+s3+$0x0], $0xffff  }
.Ltmp1:
0x5b: {  	v3 =	vld.idx.msk [tilespmem:v0+s3+$0x0], $0xffff;
	(pc) =	sbr.rel @p0 .LBB2_4-.Ltmp1, $4  }
0x5c: {  	v0 =	vld.idx.msk [tilespmem:v1+s3+$0x0], $0xffff  }
0x5d: {  	s20 =	sadd.s32 $0x80, s20;
	v1 =	vld.idx.msk [tilespmem:v2+s3+$0x0], $0xffff  }
0x5e: {  	v2 =	vld.idx.msk [tilespmem:v4+s3+$0x0], $0xffff;
	[tilespmem:s20+$0x30] =	vst v6  }
0x5f: {  	s22 =	sadd.s32 $0x80, s22;
	v4 =	vld.idx.msk [tilespmem:v7+s3+$0x0], $0xffff;
	[tilespmem:s20+$0xFFFFFFD0] =	vst v8  }
0x60: {  	[tilespmem:s20+$0xFFFFFFE0] =	vst v5  }
0x61: {  	[tilespmem:s20+$0xFFFFFFF0] =	vst v3  }
0x62: {  	[tilespmem:s20+$0x0] =	vst v0  }
0x63: {  	[tilespmem:s20+$0x10] =	vst v1  }
0x64: {  	[tilespmem:s20+$0x20] =	vst v2  }
0x65: {  	[tilespmem:s20+$0xFFFFFFC0] =	vst v4  }
0x66: {  	[hbm4b:s6+s10] =	stream.strided.scatter [tilespmem:s16], [sflag:$0x4], $0x1000, s11, s10, $0x38;
	[tilespmem:$0x1E700] =	vst v63  }
0x67: {  	_ =	swait.ge [sflag:s17], $0x1000  }
0x68: {  	[sflag:s17] =	ssyncset.done $0x0  }
0x69: {  	s31 =	simm.s32 $0x1A770;
	[sflag:s17] =	ssyncadd.s32 $0xFFFFF000  }
0x6a: {  	v0 =	vld [tilespmem:s31+$0x0]  }
0x6b: {  	v1 =	vld [tilespmem:s31+$0xFFFFFFA0]  }
0x6c: {  	v2 =	vld [tilespmem:s31+$0xFFFFFFB0]  }
0x6d: {  	v3 =	vld [tilespmem:s31+$0xFFFFFFC0]  }
0x6e: {  	v4 =	vld [tilespmem:s31+$0xFFFFFFD0]  }
0x6f: {  	v6 =	vld [tilespmem:s31+$0xFFFFFFE0]  }
0x70: {  	v7 =	vld [tilespmem:s31+$0xFFFFFFF0]  }
0x71: {  	v8 =	vld [tilespmem:s31+$0xFFFFFF90]  }
0x72: {  	v9 =	vld.idx.msk [tilespmem:v0+s3+$0x0], $0xffff  }
0x73: {  	v10 =	vld.idx.msk [tilespmem:v1+s3+$0x0], $0xffff  }
0x74: {  	v5 =	vld.idx.msk [tilespmem:v2+s3+$0x0], $0xffff  }
0x75: {  	v3 =	vld.idx.msk [tilespmem:v3+s3+$0x0], $0xffff  }
0x76: {  	v0 =	vld.idx.msk [tilespmem:v4+s3+$0x0], $0xffff  }
0x77: {  	s20 =	simm.s32 $0x1C740;
	v1 =	vld.idx.msk [tilespmem:v6+s3+$0x0], $0xffff  }
0x78: {  	v2 =	vld.idx.msk [tilespmem:v7+s3+$0x0], $0xffff;
	[tilespmem:s20+$0x30] =	vst v9  }
0x79: {  	s21 =	simm.s32 $0x0;
	s22 =	simm.s32 $0x1A7F0;
	v4 =	vld.idx.msk [tilespmem:v8+s3+$0x0], $0xffff;
	[tilespmem:s20+$0xFFFFFFD0] =	vst v10  }
.LBB2_6:
0x7a: {  	v6 =	vld [tilespmem:s22+$0x0];
	s21 =	sadd.s32 $0x80, s21;
	[tilespmem:s20+$0xFFFFFFE0] =	vst v5  }
0x7b: {  	v5 =	vld [tilespmem:s22+$0xFFFFFFA0];
	p0 =	slt.u32 s21, $0xF80;
	[tilespmem:s20+$0xFFFFFFF0] =	vst v3  }
0x7c: {  	v3 =	vld [tilespmem:s22+$0xFFFFFFB0];
	[tilespmem:s20+$0x0] =	vst v0  }
0x7d: {  	v0 =	vld [tilespmem:s22+$0xFFFFFFC0];
	[tilespmem:s20+$0x10] =	vst v1  }
0x7e: {  	v1 =	vld [tilespmem:s22+$0xFFFFFFD0];
	[tilespmem:s20+$0x20] =	vst v2  }
0x7f: {  	v2 =	vld [tilespmem:s22+$0xFFFFFFE0];
	[tilespmem:s20+$0xFFFFFFC0] =	vst v4  }
0x80: {  	v4 =	vld [tilespmem:s22+$0xFFFFFFF0]  }
0x81: {  	v7 =	vld [tilespmem:s22+$0xFFFFFF90]  }
0x82: {  	v6 =	vld.idx.msk [tilespmem:v6+s3+$0x0], $0xffff  }
0x83: {  	v8 =	vld.idx.msk [tilespmem:v5+s3+$0x0], $0xffff  }
0x84: {  	v5 =	vld.idx.msk [tilespmem:v3+s3+$0x0], $0xffff  }
.Ltmp2:
0x85: {  	v3 =	vld.idx.msk [tilespmem:v0+s3+$0x0], $0xffff;
	(pc) =	sbr.rel @p0 .LBB2_6-.Ltmp2, $4  }
0x86: {  	v0 =	vld.idx.msk [tilespmem:v1+s3+$0x0], $0xffff  }
0x87: {  	s20 =	sadd.s32 $0x80, s20;
	v1 =	vld.idx.msk [tilespmem:v2+s3+$0x0], $0xffff  }
0x88: {  	v2 =	vld.idx.msk [tilespmem:v4+s3+$0x0], $0xffff;
	[tilespmem:s20+$0x30] =	vst v6  }
0x89: {  	s22 =	sadd.s32 $0x80, s22;
	v4 =	vld.idx.msk [tilespmem:v7+s3+$0x0], $0xffff;
	[tilespmem:s20+$0xFFFFFFD0] =	vst v8  }
0x8a: {  	[tilespmem:s20+$0xFFFFFFE0] =	vst v5  }
0x8b: {  	[tilespmem:s20+$0xFFFFFFF0] =	vst v3  }
0x8c: {  	[tilespmem:s20+$0x0] =	vst v0  }
0x8d: {  	[tilespmem:s20+$0x10] =	vst v1  }
0x8e: {  	[tilespmem:s20+$0x20] =	vst v2  }
0x8f: {  	[tilespmem:s20+$0xFFFFFFC0] =	vst v4  }
0x90: {  	[hbm4b:s7+s10] =	stream.strided.scatter [tilespmem:s15], [sflag:$0x3], $0x1000, s11, s10, $0x38;
	[tilespmem:$0x1E700] =	vst v63  }
0x91: {  	_ =	swait.ge [sflag:s18], $0x1000  }
0x92: {  	[sflag:s18] =	ssyncset.done $0x0  }
0x93: {  	s31 =	simm.s32 $0x1B770;
	[sflag:s18] =	ssyncadd.s32 $0xFFFFF000  }
0x94: {  	v0 =	vld [tilespmem:s31+$0x0]  }
0x95: {  	v1 =	vld [tilespmem:s31+$0xFFFFFFA0]  }
0x96: {  	v2 =	vld [tilespmem:s31+$0xFFFFFFB0]  }
0x97: {  	v3 =	vld [tilespmem:s31+$0xFFFFFFC0]  }
0x98: {  	v4 =	vld [tilespmem:s31+$0xFFFFFFD0]  }
0x99: {  	v6 =	vld [tilespmem:s31+$0xFFFFFFE0]  }
0x9a: {  	v7 =	vld [tilespmem:s31+$0xFFFFFFF0]  }
0x9b: {  	v8 =	vld [tilespmem:s31+$0xFFFFFF90]  }
0x9c: {  	v9 =	vld.idx.msk [tilespmem:v0+s3+$0x0], $0xffff  }
0x9d: {  	v10 =	vld.idx.msk [tilespmem:v1+s3+$0x0], $0xffff  }
0x9e: {  	v5 =	vld.idx.msk [tilespmem:v2+s3+$0x0], $0xffff  }
0x9f: {  	v3 =	vld.idx.msk [tilespmem:v3+s3+$0x0], $0xffff  }
0xa0: {  	v0 =	vld.idx.msk [tilespmem:v4+s3+$0x0], $0xffff  }
0xa1: {  	s20 =	simm.s32 $0x1D740;
	v1 =	vld.idx.msk [tilespmem:v6+s3+$0x0], $0xffff  }
0xa2: {  	v2 =	vld.idx.msk [tilespmem:v7+s3+$0x0], $0xffff;
	[tilespmem:s20+$0x30] =	vst v9  }
0xa3: {  	s21 =	simm.s32 $0x0;
	s22 =	simm.s32 $0x1B7F0;
	v4 =	vld.idx.msk [tilespmem:v8+s3+$0x0], $0xffff;
	[tilespmem:s20+$0xFFFFFFD0] =	vst v10  }
.LBB2_8:
0xa4: {  	v6 =	vld [tilespmem:s22+$0x0];
	s21 =	sadd.s32 $0x80, s21;
	[tilespmem:s20+$0xFFFFFFE0] =	vst v5  }
0xa5: {  	v5 =	vld [tilespmem:s22+$0xFFFFFFA0];
	p0 =	slt.u32 s21, $0xF80;
	[tilespmem:s20+$0xFFFFFFF0] =	vst v3  }
0xa6: {  	v3 =	vld [tilespmem:s22+$0xFFFFFFB0];
	[tilespmem:s20+$0x0] =	vst v0  }
0xa7: {  	v0 =	vld [tilespmem:s22+$0xFFFFFFC0];
	[tilespmem:s20+$0x10] =	vst v1  }
0xa8: {  	v1 =	vld [tilespmem:s22+$0xFFFFFFD0];
	[tilespmem:s20+$0x20] =	vst v2  }
0xa9: {  	v2 =	vld [tilespmem:s22+$0xFFFFFFE0];
	[tilespmem:s20+$0xFFFFFFC0] =	vst v4  }
0xaa: {  	v4 =	vld [tilespmem:s22+$0xFFFFFFF0]  }
0xab: {  	v7 =	vld [tilespmem:s22+$0xFFFFFF90]  }
0xac: {  	v6 =	vld.idx.msk [tilespmem:v6+s3+$0x0], $0xffff  }
0xad: {  	v8 =	vld.idx.msk [tilespmem:v5+s3+$0x0], $0xffff  }
0xae: {  	v5 =	vld.idx.msk [tilespmem:v3+s3+$0x0], $0xffff  }
.Ltmp3:
0xaf: {  	v3 =	vld.idx.msk [tilespmem:v0+s3+$0x0], $0xffff;
	(pc) =	sbr.rel @p0 .LBB2_8-.Ltmp3, $4  }
0xb0: {  	v0 =	vld.idx.msk [tilespmem:v1+s3+$0x0], $0xffff  }
0xb1: {  	s20 =	sadd.s32 $0x80, s20;
	v1 =	vld.idx.msk [tilespmem:v2+s3+$0x0], $0xffff  }
0xb2: {  	v2 =	vld.idx.msk [tilespmem:v4+s3+$0x0], $0xffff;
	[tilespmem:s20+$0x30] =	vst v6  }
0xb3: {  	s22 =	sadd.s32 $0x80, s22;
	v4 =	vld.idx.msk [tilespmem:v7+s3+$0x0], $0xffff;
	[tilespmem:s20+$0xFFFFFFD0] =	vst v8  }
0xb4: {  	[tilespmem:s20+$0xFFFFFFE0] =	vst v5  }
0xb5: {  	[tilespmem:s20+$0xFFFFFFF0] =	vst v3  }
0xb6: {  	[tilespmem:s20+$0x0] =	vst v0  }
0xb7: {  	[tilespmem:s20+$0x10] =	vst v1  }
0xb8: {  	[tilespmem:s20+$0x20] =	vst v2  }
0xb9: {  	s19 =	sadd.s32 $0x1, s19;
	[tilespmem:s20+$0xFFFFFFC0] =	vst v4  }
0xba: {  	[hbm4b:s8+s10] =	stream.strided.scatter [tilespmem:s16], [sflag:$0x4], $0x1000, s11, s10, $0x38;
	[tilespmem:$0x1E700] =	vst v63  }
0xbb: {  	p0 =	sne.s32 s19, s9;
	_ =	swait.ge [sflag:s17], $0x1000  }
.Ltmp4:
0xbc: {  	[sflag:s17] =	ssyncset.done $0x0;
	(pc) =	sbr.rel @p0 .LBB2_1-.Ltmp4, $4  }
0xbd: {  	[sflag:s17] =	ssyncadd.s32 $0xFFFFF000  }
0xbe: {  	_ =	swait.ge [sflag:s18], $0x1000  }
0xbf: {  	[sflag:s18] =	ssyncset.done $0x0  }
0xc0: {  	[sflag:s18] =	ssyncadd.s32 $0xFFFFF000  }
0xc1: {  	_ =	sfence.sel $0x180000  }
0xc2: {  	[bflag:$0x0] =	sbarrier.arrive $0xFFFF  }
0xc3: {  	p0 =	sne.s32 s1, $0x0;
	_ =	strace $0x90000047  }
0xc4: {  	s0 =	sadd.s32 @!p0 $0x100000, s0;
	[bflag:$0x2] =	sbarrier.arrive $0xFFFF  }
0xc5: {  	[sflag:s0] =	ssyncadd.tile.s32 @!p0 $0x1;
	_ =	shalt  }
.Lfunc_end2:
_tile_overlayer_lowered:
.L_overlay_start_2:
0xc6: {  	(tag) =	ssettag $0x2  }
0xc7: {  	s0 =	rddreg [dreg:$0x0];
	s2 =	stileid.u32  }
0xc8: {  	s1 =	rddreg [dreg:$0x1];
	p0 =	sne.s32 s2, $0x0  }
0xc9: {  	s3 =	rddreg [dreg:$0x2];
	[bflag:$0x3] =	sbarrier.arrive $0xFFFF;
	s2 =	simm.s32 @!p0 $0x1C05  }
0xca: {  	[timem:s3], [sflag:s2] =	dma.local @!p0 [hbm:s0], s1  }
0xcb: {  	s0 =	simm.s32 @!p0 $0x5  }
0xcc: {  	_ =	swait.ge @!p0 [sflag:s0], s1  }
0xcd: {  	s1 =	ssub.s32 @!p0 $0x0, s1;
	[sflag:s0] =	ssyncset.done @!p0 $0x0  }
0xce: {  	[sflag:s0] =	ssyncadd.s32 @!p0 s1  }
0xcf: {  	[bflag:$0x3] =	sbarrier.arrive $0xFFFF  }
0xd0: {  	_ =	shalt  }

</sc_bundles>
